<compile_context>
chip_gen: v7x
topology: tpu7x:2x2x1
jax: 0.10.2.dev20260603
libtpu: 0.0.44.dev20260713+nightly
codegen_flags: <defaults>
</compile_context>

<pallas_src>
import functools

import jax
import jax.numpy as jnp
from jax import lax
from jax.experimental import pallas as pl
from jax.experimental.pallas import tpu as pltpu
from jax.experimental.pallas import tpu_sc as plsc

_NC, _NS = 2, 16
_NW = _NC * _NS
_L = 200
_EMB = 64
_CA, _CB = 104, 96


def _sc_pool_body(text_hbm, embed_hbm, out_hbm, idx_v, rows_v, out_v, sem_a, sem_b):
    wid = lax.axis_index("s") * _NC + lax.axis_index("c")
    bpw = out_v.shape[0]
    base = wid * bpw

    def elem(i, carry):
        pltpu.sync_copy(text_hbm.at[base + i], idx_v)
        cp_a = pltpu.async_copy(
            embed_hbm.at[idx_v.at[pl.ds(0, _CA)]], rows_v.at[pl.ds(0, _CA)], sem_a)
        cp_b = pltpu.async_copy(
            embed_hbm.at[idx_v.at[pl.ds(_CA, _CB)]], rows_v.at[pl.ds(_CA, _CB)], sem_b)
        cp_a.wait()
        cp_b.wait()

        def rows8(j, accs):
            a = list(accs)
            for u in range(8):
                r = j * 8 + u
                for c in range(4):
                    a[c] = a[c] + rows_v[r, pl.ds(16 * c, 16)]
            return tuple(a)

        zero = jnp.zeros((16,), jnp.float32)
        accs = lax.fori_loop(0, _L // 8, rows8, (zero, zero, zero, zero))
        scale = jnp.float32(1.0 / _L)
        for c in range(4):
            out_v[i, pl.ds(16 * c, 16)] = accs[c] * scale
        return carry

    lax.fori_loop(0, bpw, elem, 0)
    pltpu.sync_copy(out_v, out_hbm.at[pl.ds(base, bpw)])


@functools.cache
def _make_sc_pool(batch):
    bpw = batch // _NW
    mesh = plsc.VectorSubcoreMesh(core_axis_name="c", subcore_axis_name="s")
    return pl.kernel(
        _sc_pool_body,
        out_type=jax.ShapeDtypeStruct((batch, _EMB), jnp.float32),
        mesh=mesh,
        scratch_types=[
            pltpu.VMEM((_L,), jnp.int32),
            pltpu.VMEM((_L, _EMB), jnp.float32),
            pltpu.VMEM((bpw, _EMB), jnp.float32),
            pltpu.SemaphoreType.DMA,
            pltpu.SemaphoreType.DMA,
        ],
        compiler_params=pltpu.CompilerParams(use_tc_tiling_on_sc=False),
    )


def _mlp_body(pooled_ref, w1_ref, b1_ref, w2_ref, b2_ref, out_ref):
    h = jnp.tanh(
        jnp.dot(pooled_ref[...], w1_ref[...], preferred_element_type=jnp.float32)
        + b1_ref[...][None, :])
    out_ref[...] = (
        jnp.dot(h, w2_ref[...], preferred_element_type=jnp.float32)
        + b2_ref[...][None, :])


def kernel(text, embed, w1, b1, w2, b2):
    batch = text.shape[0]
    pooled = _make_sc_pool(batch)(text, embed)
    return pl.pallas_call(
        _mlp_body,
        out_shape=jax.ShapeDtypeStruct((batch, w2.shape[1]), jnp.float32),
    )(pooled, w1, b1, w2, b2)

# --- scband reference (transcript-rebuilt; emitter-appended) ---
"""Pipeline reference for scband-bo-wclassifier-12086037971326 (READ-ONLY COPY).

The authoritative reference and input builder live on the scoring server;
editing this copy changes nothing except your own understanding.
"""

import jax, jax.numpy as jnp
import numpy as np

VOCAB = 1000000
EMB = 64
HID = 128
NCLS = 100
B = 4096
L = 200


def setup_inputs(seed: int = 0) -> dict:
    key = jax.random.key(seed)
    k1, k2, k3, k4 = jax.random.split(key, 4)
    text = jax.random.randint(k1, (B, L), 0, VOCAB, dtype=jnp.int32)
    embed = jax.random.normal(k2, (VOCAB, EMB), dtype=jnp.float32) * 0.02
    w1 = jax.random.normal(k3, (EMB, HID), dtype=jnp.float32) * 0.05
    b1 = jnp.zeros((HID,), dtype=jnp.float32)
    w2 = jax.random.normal(k4, (HID, NCLS), dtype=jnp.float32) * 0.05
    b2 = jnp.zeros((NCLS,), dtype=jnp.float32)
    return {"text": text, "embed": embed, "w1": w1, "b1": b1, "w2": w2, "b2": b2}


def reference(text, embed, w1, b1, w2, b2):
    # nn.Embedding lookup -> gather rows
    e = jnp.take(embed, text, axis=0)          # [B, L, EMB]
    # mean pooling over sequence (bag of words)
    e = jnp.mean(e, axis=1)                     # [B, EMB]
    # fc1 + tanh
    h = jnp.tanh(e @ w1 + b1)                   # [B, HID]
    # dropout is identity in eval mode
    # fc2 -> logits
    logits = h @ w2 + b2                        # [B, NCLS]
    return logits

if __name__ == "__main__":
    import jax
    _d = setup_inputs()
    print(jax.jit(kernel)(*tuple(_d.values())))

</pallas_src>

<mosaic_0001>
#map = affine_map<(d0, d1) -> (0, 0)>
module attributes {stable_mosaic.version = 14 : i64} {
  func.func @_sc_pool_body(%arg0: i32, %arg1: i32, %arg2: memref<4096x200xi32, #tpu.memory_space<hbm>>, %arg3: memref<1000000x64xf32, #tpu.memory_space<hbm>>, %arg4: memref<4096x64xf32, #tpu.memory_space<hbm>>, %arg5: memref<200xi32, #tpu.memory_space<vmem>>, %arg6: memref<200x64xf32, #tpu.memory_space<vmem>>, %arg7: memref<128x64xf32, #tpu.memory_space<vmem>>, %arg8: memref<!tpu.dma_semaphore, #tpu.memory_space<semaphore_mem>>, %arg9: memref<!tpu.dma_semaphore, #tpu.memory_space<semaphore_mem>>) attributes {dimension_semantics = [#tpu.dimension_semantics<core_parallel>, #tpu.dimension_semantics<subcore_parallel>], iteration_bounds = array<i64: 2, 16>, scalar_prefetch = 0 : i64, scratch_operands = 5 : i64, tpu.core_type = #tpu.core_type<sc_vector_subcore>, window_params = [{transform_indices = #map}, {transform_indices = #map}, {transform_indices = #map}]} {
    %mul3A = arith.constant 2 : i32
    %mul3A_0 = arith.muli %arg1, %mul3A : i32
    %add3A = arith.addi %mul3A_0, %arg0 : i32
    %mul3A_1 = arith.constant 128 : i32
    %mul3A_2 = arith.muli %add3A, %mul3A_1 : i32
    %scan3A = arith.constant 0 : i32
    %scan3A_3 = arith.constant 0 : i32
    %scan3A_4 = arith.constant 128 : i32
    %scan3A_5 = arith.addi %scan3A_3, %scan3A_4 : i32
    %scan3A_6 = arith.constant 1 : i32
    scf.for %scan3A_8 = %scan3A_3 to %scan3A_5 step %scan3A_6  : i32 {
      %add3A_9 = arith.addi %mul3A_2, %scan3A_8 : i32
      "tpu.region"() ({
        %run_scoped3A = tpu.sem_alloc : memref<!tpu.dma_semaphore, #tpu.memory_space<semaphore_mem>>
        %dma_start3A_78 = arith.constant 0 : i32
        %dma_start3A_79 = tpu.memref_slice %arg2[%add3A_9, %dma_start3A_78] : memref<4096x200xi32, #tpu.memory_space<hbm>> -> memref<1x200xi32, #tpu.memory_space<hbm>>
        %dma_start3A_80 = tpu.memref_squeeze %dma_start3A_79 : memref<1x200xi32, #tpu.memory_space<hbm>> -> memref<200xi32, #tpu.memory_space<hbm>>
        %dma_start3A_81 = arith.constant 0 : i32
        %dma_start3A_82 = tpu.memref_slice %arg2[%add3A_9, %dma_start3A_81] : memref<4096x200xi32, #tpu.memory_space<hbm>> -> memref<1x200xi32, #tpu.memory_space<hbm>>
        %dma_start3A_83 = tpu.memref_squeeze %dma_start3A_82 : memref<1x200xi32, #tpu.memory_space<hbm>> -> memref<200xi32, #tpu.memory_space<hbm>>
        tpu.enqueue_dma source(%dma_start3A_83 : memref<200xi32, #tpu.memory_space<hbm>>) target(%arg5 : memref<200xi32, #tpu.memory_space<vmem>>) target_semaphore(%run_scoped3A : memref<!tpu.dma_semaphore, #tpu.memory_space<semaphore_mem>>)
        %dma_wait3A_84 = arith.constant 0 : i32
        %dma_wait3A_85 = tpu.memref_slice %arg2[%add3A_9, %dma_wait3A_84] : memref<4096x200xi32, #tpu.memory_space<hbm>> -> memref<1x200xi32, #tpu.memory_space<hbm>>
        %dma_wait3A_86 = tpu.memref_squeeze %dma_wait3A_85 : memref<1x200xi32, #tpu.memory_space<hbm>> -> memref<200xi32, #tpu.memory_space<hbm>>
        %dma_wait3A_87 = arith.constant 0 : i32
        %dma_wait3A_88 = tpu.memref_slice %arg2[%add3A_9, %dma_wait3A_87] : memref<4096x200xi32, #tpu.memory_space<hbm>> -> memref<1x200xi32, #tpu.memory_space<hbm>>
        %dma_wait3A_89 = tpu.memref_squeeze %dma_wait3A_88 : memref<1x200xi32, #tpu.memory_space<hbm>> -> memref<200xi32, #tpu.memory_space<hbm>>
        tpu.wait_dma2 semaphore(%run_scoped3A : memref<!tpu.dma_semaphore, #tpu.memory_space<semaphore_mem>>) src(%dma_wait3A_89 : memref<200xi32, #tpu.memory_space<hbm>>) dst(%arg5 : memref<200xi32, #tpu.memory_space<vmem>>)
        tpu.yield
      }) : () -> ()
      %dma_start3A = arith.constant 0 : i32
      %dma_start3A_10 = arith.constant 0 : i32
      %dma_start3A_11 = tpu.memref_slice %arg6[%dma_start3A, %dma_start3A_10] : memref<200x64xf32, #tpu.memory_space<vmem>> -> memref<104x64xf32, #tpu.memory_space<vmem>>
      %dma_start3A_12 = arith.constant 0 : i32
      %dma_start3A_13 = tpu.memref_slice %arg5[%dma_start3A_12] : memref<200xi32, #tpu.memory_space<vmem>> -> memref<104xi32, #tpu.memory_space<vmem>>
      %dma_start3A_14 = arith.constant 0 : i32
      %dma_start3A_15 = arith.constant 0 : i32
      %dma_start3A_16 = tpu.memref_slice %arg3[%dma_start3A_14, %dma_start3A_15] : memref<1000000x64xf32, #tpu.memory_space<hbm>> -> memref<1000000x64xf32, #tpu.memory_space<hbm>>
      tpu.enqueue_indirect_dma source(%dma_start3A_16 : memref<1000000x64xf32, #tpu.memory_space<hbm>>) target(%dma_start3A_11 : memref<104x64xf32, #tpu.memory_space<vmem>>) offsets(%dma_start3A_13 : memref<104xi32, #tpu.memory_space<vmem>>) semaphore(%arg8 : memref<!tpu.dma_semaphore, #tpu.memory_space<semaphore_mem>>)
      %dma_start3A_17 = arith.constant 104 : i32
      %dma_start3A_18 = arith.constant 0 : i32
      %dma_start3A_19 = tpu.memref_slice %arg6[%dma_start3A_17, %dma_start3A_18] : memref<200x64xf32, #tpu.memory_space<vmem>> -> memref<96x64xf32, #tpu.memory_space<vmem>>
      %dma_start3A_20 = arith.constant 104 : i32
      %dma_start3A_21 = tpu.memref_slice %arg5[%dma_start3A_20] : memref<200xi32, #tpu.memory_space<vmem>> -> memref<96xi32, #tpu.memory_space<vmem>>
      %dma_start3A_22 = arith.constant 0 : i32
      %dma_start3A_23 = arith.constant 0 : i32
      %dma_start3A_24 = tpu.memref_slice %arg3[%dma_start3A_22, %dma_start3A_23] : memref<1000000x64xf32, #tpu.memory_space<hbm>> -> memref<1000000x64xf32, #tpu.memory_space<hbm>>
      tpu.enqueue_indirect_dma source(%dma_start3A_24 : memref<1000000x64xf32, #tpu.memory_space<hbm>>) target(%dma_start3A_19 : memref<96x64xf32, #tpu.memory_space<vmem>>) offsets(%dma_start3A_21 : memref<96xi32, #tpu.memory_space<vmem>>) semaphore(%arg9 : memref<!tpu.dma_semaphore, #tpu.memory_space<semaphore_mem>>)
      %dma_wait3A = arith.constant 0 : i32
      %dma_wait3A_25 = arith.constant 0 : i32
      %dma_wait3A_26 = tpu.memref_slice %arg6[%dma_wait3A, %dma_wait3A_25] : memref<200x64xf32, #tpu.memory_space<vmem>> -> memref<104x64xf32, #tpu.memory_space<vmem>>
      %dma_wait3A_27 = arith.constant 0 : i32
      %dma_wait3A_28 = tpu.memref_slice %arg5[%dma_wait3A_27] : memref<200xi32, #tpu.memory_space<vmem>> -> memref<104xi32, #tpu.memory_space<vmem>>
      %dma_wait3A_29 = arith.constant 0 : i32
      %dma_wait3A_30 = arith.constant 0 : i32
      %dma_wait3A_31 = tpu.memref_slice %arg3[%dma_wait3A_29, %dma_wait3A_30] : memref<1000000x64xf32, #tpu.memory_space<hbm>> -> memref<1000000x64xf32, #tpu.memory_space<hbm>>
      tpu.wait_indirect_dma semaphore(%arg8 : memref<!tpu.dma_semaphore, #tpu.memory_space<semaphore_mem>>) src(%dma_wait3A_31 : memref<1000000x64xf32, #tpu.memory_space<hbm>>) dst(%dma_wait3A_26 : memref<104x64xf32, #tpu.memory_space<vmem>>)
      %dma_wait3A_32 = arith.constant 104 : i32
      %dma_wait3A_33 = arith.constant 0 : i32
      %dma_wait3A_34 = tpu.memref_slice %arg6[%dma_wait3A_32, %dma_wait3A_33] : memref<200x64xf32, #tpu.memory_space<vmem>> -> memref<96x64xf32, #tpu.memory_space<vmem>>
      %dma_wait3A_35 = arith.constant 104 : i32
      %dma_wait3A_36 = tpu.memref_slice %arg5[%dma_wait3A_35] : memref<200xi32, #tpu.memory_space<vmem>> -> memref<96xi32, #tpu.memory_space<vmem>>
      %dma_wait3A_37 = arith.constant 0 : i32
      %dma_wait3A_38 = arith.constant 0 : i32
      %dma_wait3A_39 = tpu.memref_slice %arg3[%dma_wait3A_37, %dma_wait3A_38] : memref<1000000x64xf32, #tpu.memory_space<hbm>> -> memref<1000000x64xf32, #tpu.memory_space<hbm>>
      tpu.wait_indirect_dma semaphore(%arg9 : memref<!tpu.dma_semaphore, #tpu.memory_space<semaphore_mem>>) src(%dma_wait3A_39 : memref<1000000x64xf32, #tpu.memory_space<hbm>>) dst(%dma_wait3A_34 : memref<96x64xf32, #tpu.memory_space<vmem>>)
      %broadcast_in_dim3A = arith.constant 0.000000e+00 : f32
      %broadcast_in_dim3A_40 = vector.broadcast %broadcast_in_dim3A : f32 to vector<16xf32>
      %scan3A_41 = arith.constant 0 : i32
      %scan3A_42 = arith.constant 25 : i32
      %scan3A_43 = arith.addi %scan3A_41, %scan3A_42 : i32
      %scan3A_44 = arith.constant 1 : i32
      %scan3A_45:4 = scf.for %scan3A_78 = %scan3A_41 to %scan3A_43 step %scan3A_44 iter_args(%scan3A_79 = %broadcast_in_dim3A_40, %scan3A_80 = %broadcast_in_dim3A_40, %scan3A_81 = %broadcast_in_dim3A_40, %scan3A_82 = %broadcast_in_dim3A_40) -> (vector<16xf32>, vector<16xf32>, vector<16xf32>, vector<16xf32>)  : i32 {
        %mul3A_83 = arith.constant 8 : i32
        %mul3A_84 = arith.muli %scan3A_78, %mul3A_83 : i32
        %add3A_85 = arith.constant 0 : i32
        %add3A_86 = arith.addi %mul3A_84, %add3A_85 : i32
        %get3A = arith.index_cast %add3A_86 : i32 to index
        %get3A_87 = arith.constant 0 : index
        %get3A_88 = tpu.vector_load %arg6[%get3A, %get3A_87] {strides = array<i32>} : memref<200x64xf32, #tpu.memory_space<vmem>>, vector<1x16xf32>,
        %get3A_89 = vector.shape_cast %get3A_88 : vector<1x16xf32> to vector<16xf32>
        %add3A_90 = arith.addf %scan3A_79, %get3A_89 : vector<16xf32>
        %get3A_91 = arith.index_cast %add3A_86 : i32 to index
        %get3A_92 = arith.constant 16 : index
        %get3A_93 = tpu.vector_load %arg6[%get3A_91, %get3A_92] {strides = array<i32>} : memref<200x64xf32, #tpu.memory_space<vmem>>, vector<1x16xf32>,
        %get3A_94 = vector.shape_cast %get3A_93 : vector<1x16xf32> to vector<16xf32>
        %add3A_95 = arith.addf %scan3A_80, %get3A_94 : vector<16xf32>
        %get3A_96 = arith.index_cast %add3A_86 : i32 to index
        %get3A_97 = arith.constant 32 : index
        %get3A_98 = tpu.vector_load %arg6[%get3A_96, %get3A_97] {strides = array<i32>} : memref<200x64xf32, #tpu.memory_space<vmem>>, vector<1x16xf32>,
        %get3A_99 = vector.shape_cast %get3A_98 : vector<1x16xf32> to vector<16xf32>
        %add3A_100 = arith.addf %scan3A_81, %get3A_99 : vector<16xf32>
        %get3A_101 = arith.index_cast %add3A_86 : i32 to index
        %get3A_102 = arith.constant 48 : index
        %get3A_103 = tpu.vector_load %arg6[%get3A_101, %get3A_102] {strides = array<i32>} : memref<200x64xf32, #tpu.memory_space<vmem>>, vector<1x16xf32>,
        %get3A_104 = vector.shape_cast %get3A_103 : vector<1x16xf32> to vector<16xf32>
        %add3A_105 = arith.addf %scan3A_82, %get3A_104 : vector<16xf32>
        %mul3A_106 = arith.constant 8 : i32
        %mul3A_107 = arith.muli %scan3A_78, %mul3A_106 : i32
        %add3A_108 = arith.constant 1 : i32
        %add3A_109 = arith.addi %mul3A_107, %add3A_108 : i32
        %get3A_110 = arith.index_cast %add3A_109 : i32 to index
        %get3A_111 = arith.constant 0 : index
        %get3A_112 = tpu.vector_load %arg6[%get3A_110, %get3A_111] {strides = array<i32>} : memref<200x64xf32, #tpu.memory_space<vmem>>, vector<1x16xf32>,
        %get3A_113 = vector.shape_cast %get3A_112 : vector<1x16xf32> to vector<16xf32>
        %add3A_114 = arith.addf %add3A_90, %get3A_113 : vector<16xf32>
        %get3A_115 = arith.index_cast %add3A_109 : i32 to index
        %get3A_116 = arith.constant 16 : index
        %get3A_117 = tpu.vector_load %arg6[%get3A_115, %get3A_116] {strides = array<i32>} : memref<200x64xf32, #tpu.memory_space<vmem>>, vector<1x16xf32>,
        %get3A_118 = vector.shape_cast %get3A_117 : vector<1x16xf32> to vector<16xf32>
        %add3A_119 = arith.addf %add3A_95, %get3A_118 : vector<16xf32>
        %get3A_120 = arith.index_cast %add3A_109 : i32 to index
        %get3A_121 = arith.constant 32 : index
        %get3A_122 = tpu.vector_load %arg6[%get3A_120, %get3A_121] {strides = array<i32>} : memref<200x64xf32, #tpu.memory_space<vmem>>, vector<1x16xf32>,
        %get3A_123 = vector.shape_cast %get3A_122 : vector<1x16xf32> to vector<16xf32>
        %add3A_124 = arith.addf %add3A_100, %get3A_123 : vector<16xf32>
        %get3A_125 = arith.index_cast %add3A_109 : i32 to index
        %get3A_126 = arith.constant 48 : index
        %get3A_127 = tpu.vector_load %arg6[%get3A_125, %get3A_126] {strides = array<i32>} : memref<200x64xf32, #tpu.memory_space<vmem>>, vector<1x16xf32>,
        %get3A_128 = vector.shape_cast %get3A_127 : vector<1x16xf32> to vector<16xf32>
        %add3A_129 = arith.addf %add3A_105, %get3A_128 : vector<16xf32>
        %mul3A_130 = arith.constant 8 : i32
        %mul3A_131 = arith.muli %scan3A_78, %mul3A_130 : i32
        %add3A_132 = arith.constant 2 : i32
        %add3A_133 = arith.addi %mul3A_131, %add3A_132 : i32
        %get3A_134 = arith.index_cast %add3A_133 : i32 to index
        %get3A_135 = arith.constant 0 : index
        %get3A_136 = tpu.vector_load %arg6[%get3A_134, %get3A_135] {strides = array<i32>} : memref<200x64xf32, #tpu.memory_space<vmem>>, vector<1x16xf32>,
        %get3A_137 = vector.shape_cast %get3A_136 : vector<1x16xf32> to vector<16xf32>
        %add3A_138 = arith.addf %add3A_114, %get3A_137 : vector<16xf32>
        %get3A_139 = arith.index_cast %add3A_133 : i32 to index
        %get3A_140 = arith.constant 16 : index
        %get3A_141 = tpu.vector_load %arg6[%get3A_139, %get3A_140] {strides = array<i32>} : memref<200x64xf32, #tpu.memory_space<vmem>>, vector<1x16xf32>,
        %get3A_142 = vector.shape_cast %get3A_141 : vector<1x16xf32> to vector<16xf32>
        %add3A_143 = arith.addf %add3A_119, %get3A_142 : vector<16xf32>
        %get3A_144 = arith.index_cast %add3A_133 : i32 to index
        %get3A_145 = arith.constant 32 : index
        %get3A_146 = tpu.vector_load %arg6[%get3A_144, %get3A_145] {strides = array<i32>} : memref<200x64xf32, #tpu.memory_space<vmem>>, vector<1x16xf32>,
        %get3A_147 = vector.shape_cast %get3A_146 : vector<1x16xf32> to vector<16xf32>
        %add3A_148 = arith.addf %add3A_124, %get3A_147 : vector<16xf32>
        %get3A_149 = arith.index_cast %add3A_133 : i32 to index
        %get3A_150 = arith.constant 48 : index
        %get3A_151 = tpu.vector_load %arg6[%get3A_149, %get3A_150] {strides = array<i32>} : memref<200x64xf32, #tpu.memory_space<vmem>>, vector<1x16xf32>,
        %get3A_152 = vector.shape_cast %get3A_151 : vector<1x16xf32> to vector<16xf32>
        %add3A_153 = arith.addf %add3A_129, %get3A_152 : vector<16xf32>
        %mul3A_154 = arith.constant 8 : i32
        %mul3A_155 = arith.muli %scan3A_78, %mul3A_154 : i32
        %add3A_156 = arith.constant 3 : i32
        %add3A_157 = arith.addi %mul3A_155, %add3A_156 : i32
        %get3A_158 = arith.index_cast %add3A_157 : i32 to index
        %get3A_159 = arith.constant 0 : index
        %get3A_160 = tpu.vector_load %arg6[%get3A_158, %get3A_159] {strides = array<i32>} : memref<200x64xf32, #tpu.memory_space<vmem>>, vector<1x16xf32>,
        %get3A_161 = vector.shape_cast %get3A_160 : vector<1x16xf32> to vector<16xf32>
        %add3A_162 = arith.addf %add3A_138, %get3A_161 : vector<16xf32>
        %get3A_163 = arith.index_cast %add3A_157 : i32 to index
        %get3A_164 = arith.constant 16 : index
        %get3A_165 = tpu.vector_load %arg6[%get3A_163, %get3A_164] {strides = array<i32>} : memref<200x64xf32, #tpu.memory_space<vmem>>, vector<1x16xf32>,
        %get3A_166 = vector.shape_cast %get3A_165 : vector<1x16xf32> to vector<16xf32>
        %add3A_167 = arith.addf %add3A_143, %get3A_166 : vector<16xf32>
        %get3A_168 = arith.index_cast %add3A_157 : i32 to index
        %get3A_169 = arith.constant 32 : index
        %get3A_170 = tpu.vector_load %arg6[%get3A_168, %get3A_169] {strides = array<i32>} : memref<200x64xf32, #tpu.memory_space<vmem>>, vector<1x16xf32>,
        %get3A_171 = vector.shape_cast %get3A_170 : vector<1x16xf32> to vector<16xf32>
        %add3A_172 = arith.addf %add3A_148, %get3A_171 : vector<16xf32>
        %get3A_173 = arith.index_cast %add3A_157 : i32 to index
        %get3A_174 = arith.constant 48 : index
        %get3A_175 = tpu.vector_load %arg6[%get3A_173, %get3A_174] {strides = array<i32>} : memref<200x64xf32, #tpu.memory_space<vmem>>, vector<1x16xf32>,
        %get3A_176 = vector.shape_cast %get3A_175 : vector<1x16xf32> to vector<16xf32>
        %add3A_177 = arith.addf %add3A_153, %get3A_176 : vector<16xf32>
        %mul3A_178 = arith.constant 8 : i32
        %mul3A_179 = arith.muli %scan3A_78, %mul3A_178 : i32
        %add3A_180 = arith.constant 4 : i32
        %add3A_181 = arith.addi %mul3A_179, %add3A_180 : i32
        %get3A_182 = arith.index_cast %add3A_181 : i32 to index
        %get3A_183 = arith.constant 0 : index
        %get3A_184 = tpu.vector_load %arg6[%get3A_182, %get3A_183] {strides = array<i32>} : memref<200x64xf32, #tpu.memory_space<vmem>>, vector<1x16xf32>,
        %get3A_185 = vector.shape_cast %get3A_184 : vector<1x16xf32> to vector<16xf32>
        %add3A_186 = arith.addf %add3A_162, %get3A_185 : vector<16xf32>
        %get3A_187 = arith.index_cast %add3A_181 : i32 to index
        %get3A_188 = arith.constant 16 : index
        %get3A_189 = tpu.vector_load %arg6[%get3A_187, %get3A_188] {strides = array<i32>} : memref<200x64xf32, #tpu.memory_space<vmem>>, vector<1x16xf32>,
        %get3A_190 = vector.shape_cast %get3A_189 : vector<1x16xf32> to vector<16xf32>
        %add3A_191 = arith.addf %add3A_167, %get3A_190 : vector<16xf32>
        %get3A_192 = arith.index_cast %add3A_181 : i32 to index
        %get3A_193 = arith.constant 32 : index
        %get3A_194 = tpu.vector_load %arg6[%get3A_192, %get3A_193] {strides = array<i32>} : memref<200x64xf32, #tpu.memory_space<vmem>>, vector<1x16xf32>,
        %get3A_195 = vector.shape_cast %get3A_194 : vector<1x16xf32> to vector<16xf32>
        %add3A_196 = arith.addf %add3A_172, %get3A_195 : vector<16xf32>
        %get3A_197 = arith.index_cast %add3A_181 : i32 to index
        %get3A_198 = arith.constant 48 : index
        %get3A_199 = tpu.vector_load %arg6[%get3A_197, %get3A_198] {strides = array<i32>} : memref<200x64xf32, #tpu.memory_space<vmem>>, vector<1x16xf32>,
        %get3A_200 = vector.shape_cast %get3A_199 : vector<1x16xf32> to vector<16xf32>
        %add3A_201 = arith.addf %add3A_177, %get3A_200 : vector<16xf32>
        %mul3A_202 = arith.constant 8 : i32
        %mul3A_203 = arith.muli %scan3A_78, %mul3A_202 : i32
        %add3A_204 = arith.constant 5 : i32
        %add3A_205 = arith.addi %mul3A_203, %add3A_204 : i32
        %get3A_206 = arith.index_cast %add3A_205 : i32 to index
        %get3A_207 = arith.constant 0 : index
        %get3A_208 = tpu.vector_load %arg6[%get3A_206, %get3A_207] {strides = array<i32>} : memref<200x64xf32, #tpu.memory_space<vmem>>, vector<1x16xf32>,
        %get3A_209 = vector.shape_cast %get3A_208 : vector<1x16xf32> to vector<16xf32>
        %add3A_210 = arith.addf %add3A_186, %get3A_209 : vector<16xf32>
        %get3A_211 = arith.index_cast %add3A_205 : i32 to index
        %get3A_212 = arith.constant 16 : index
        %get3A_213 = tpu.vector_load %arg6[%get3A_211, %get3A_212] {strides = array<i32>} : memref<200x64xf32, #tpu.memory_space<vmem>>, vector<1x16xf32>,
        %get3A_214 = vector.shape_cast %get3A_213 : vector<1x16xf32> to vector<16xf32>
        %add3A_215 = arith.addf %add3A_191, %get3A_214 : vector<16xf32>
        %get3A_216 = arith.index_cast %add3A_205 : i32 to index
        %get3A_217 = arith.constant 32 : index
        %get3A_218 = tpu.vector_load %arg6[%get3A_216, %get3A_217] {strides = array<i32>} : memref<200x64xf32, #tpu.memory_space<vmem>>, vector<1x16xf32>,
        %get3A_219 = vector.shape_cast %get3A_218 : vector<1x16xf32> to vector<16xf32>
        %add3A_220 = arith.addf %add3A_196, %get3A_219 : vector<16xf32>
        %get3A_221 = arith.index_cast %add3A_205 : i32 to index
        %get3A_222 = arith.constant 48 : index
        %get3A_223 = tpu.vector_load %arg6[%get3A_221, %get3A_222] {strides = array<i32>} : memref<200x64xf32, #tpu.memory_space<vmem>>, vector<1x16xf32>,
        %get3A_224 = vector.shape_cast %get3A_223 : vector<1x16xf32> to vector<16xf32>
        %add3A_225 = arith.addf %add3A_201, %get3A_224 : vector<16xf32>
        %mul3A_226 = arith.constant 8 : i32
        %mul3A_227 = arith.muli %scan3A_78, %mul3A_226 : i32
        %add3A_228 = arith.constant 6 : i32
        %add3A_229 = arith.addi %mul3A_227, %add3A_228 : i32
        %get3A_230 = arith.index_cast %add3A_229 : i32 to index
        %get3A_231 = arith.constant 0 : index
        %get3A_232 = tpu.vector_load %arg6[%get3A_230, %get3A_231] {strides = array<i32>} : memref<200x64xf32, #tpu.memory_space<vmem>>, vector<1x16xf32>,
        %get3A_233 = vector.shape_cast %get3A_232 : vector<1x16xf32> to vector<16xf32>
        %add3A_234 = arith.addf %add3A_210, %get3A_233 : vector<16xf32>
        %get3A_235 = arith.index_cast %add3A_229 : i32 to index
        %get3A_236 = arith.constant 16 : index
        %get3A_237 = tpu.vector_load %arg6[%get3A_235, %get3A_236] {strides = array<i32>} : memref<200x64xf32, #tpu.memory_space<vmem>>, vector<1x16xf32>,
        %get3A_238 = vector.shape_cast %get3A_237 : vector<1x16xf32> to vector<16xf32>
        %add3A_239 = arith.addf %add3A_215, %get3A_238 : vector<16xf32>
        %get3A_240 = arith.index_cast %add3A_229 : i32 to index
        %get3A_241 = arith.constant 32 : index
        %get3A_242 = tpu.vector_load %arg6[%get3A_240, %get3A_241] {strides = array<i32>} : memref<200x64xf32, #tpu.memory_space<vmem>>, vector<1x16xf32>,
        %get3A_243 = vector.shape_cast %get3A_242 : vector<1x16xf32> to vector<16xf32>
        %add3A_244 = arith.addf %add3A_220, %get3A_243 : vector<16xf32>
        %get3A_245 = arith.index_cast %add3A_229 : i32 to index
        %get3A_246 = arith.constant 48 : index
        %get3A_247 = tpu.vector_load %arg6[%get3A_245, %get3A_246] {strides = array<i32>} : memref<200x64xf32, #tpu.memory_space<vmem>>, vector<1x16xf32>,
        %get3A_248 = vector.shape_cast %get3A_247 : vector<1x16xf32> to vector<16xf32>
        %add3A_249 = arith.addf %add3A_225, %get3A_248 : vector<16xf32>
        %mul3A_250 = arith.constant 8 : i32
        %mul3A_251 = arith.muli %scan3A_78, %mul3A_250 : i32
        %add3A_252 = arith.constant 7 : i32
        %add3A_253 = arith.addi %mul3A_251, %add3A_252 : i32
        %get3A_254 = arith.index_cast %add3A_253 : i32 to index
        %get3A_255 = arith.constant 0 : index
        %get3A_256 = tpu.vector_load %arg6[%get3A_254, %get3A_255] {strides = array<i32>} : memref<200x64xf32, #tpu.memory_space<vmem>>, vector<1x16xf32>,
        %get3A_257 = vector.shape_cast %get3A_256 : vector<1x16xf32> to vector<16xf32>
        %add3A_258 = arith.addf %add3A_234, %get3A_257 : vector<16xf32>
        %get3A_259 = arith.index_cast %add3A_253 : i32 to index
        %get3A_260 = arith.constant 16 : index
        %get3A_261 = tpu.vector_load %arg6[%get3A_259, %get3A_260] {strides = array<i32>} : memref<200x64xf32, #tpu.memory_space<vmem>>, vector<1x16xf32>,
        %get3A_262 = vector.shape_cast %get3A_261 : vector<1x16xf32> to vector<16xf32>
        %add3A_263 = arith.addf %add3A_239, %get3A_262 : vector<16xf32>
        %get3A_264 = arith.index_cast %add3A_253 : i32 to index
        %get3A_265 = arith.constant 32 : index
        %get3A_266 = tpu.vector_load %arg6[%get3A_264, %get3A_265] {strides = array<i32>} : memref<200x64xf32, #tpu.memory_space<vmem>>, vector<1x16xf32>,
        %get3A_267 = vector.shape_cast %get3A_266 : vector<1x16xf32> to vector<16xf32>
        %add3A_268 = arith.addf %add3A_244, %get3A_267 : vector<16xf32>
        %get3A_269 = arith.index_cast %add3A_253 : i32 to index
        %get3A_270 = arith.constant 48 : index
        %get3A_271 = tpu.vector_load %arg6[%get3A_269, %get3A_270] {strides = array<i32>} : memref<200x64xf32, #tpu.memory_space<vmem>>, vector<1x16xf32>,
        %get3A_272 = vector.shape_cast %get3A_271 : vector<1x16xf32> to vector<16xf32>
        %add3A_273 = arith.addf %add3A_249, %get3A_272 : vector<16xf32>
        scf.yield %add3A_258, %add3A_263, %add3A_268, %add3A_273 : vector<16xf32>, vector<16xf32>, vector<16xf32>, vector<16xf32>
      }
      %scan3A_46 = arith.constant 25 : i32
      %mul3A_47 = arith.constant 5.000000e-03 : f32
      %mul3A_48 = vector.broadcast %mul3A_47 : f32 to vector<16xf32>
      %mul3A_49 = arith.mulf %scan3A_45#0, %mul3A_48 : vector<16xf32>
      %swap3A = arith.index_cast %scan3A_8 : i32 to index
      %swap3A_50 = arith.constant 0 : index
      %swap3A_51 = tpu.vector_load %arg7[%swap3A, %swap3A_50] {strides = array<i32>} : memref<128x64xf32, #tpu.memory_space<vmem>>, vector<1x16xf32>,
      %swap3A_52 = vector.shape_cast %swap3A_51 : vector<1x16xf32> to vector<16xf32>
      %swap3A_53 = vector.shape_cast %mul3A_49 : vector<16xf32> to vector<1x16xf32>
      tpu.vector_store %arg7[%swap3A, %swap3A_50], %swap3A_53 {strides = array<i32>} : memref<128x64xf32, #tpu.memory_space<vmem>>, vector<1x16xf32>,
      %mul3A_54 = arith.constant 5.000000e-03 : f32
      %mul3A_55 = vector.broadcast %mul3A_54 : f32 to vector<16xf32>
      %mul3A_56 = arith.mulf %scan3A_45#1, %mul3A_55 : vector<16xf32>
      %swap3A_57 = arith.index_cast %scan3A_8 : i32 to index
      %swap3A_58 = arith.constant 16 : index
      %swap3A_59 = tpu.vector_load %arg7[%swap3A_57, %swap3A_58] {strides = array<i32>} : memref<128x64xf32, #tpu.memory_space<vmem>>, vector<1x16xf32>,
      %swap3A_60 = vector.shape_cast %swap3A_59 : vector<1x16xf32> to vector<16xf32>
      %swap3A_61 = vector.shape_cast %mul3A_56 : vector<16xf32> to vector<1x16xf32>
      tpu.vector_store %arg7[%swap3A_57, %swap3A_58], %swap3A_61 {strides = array<i32>} : memref<128x64xf32, #tpu.memory_space<vmem>>, vector<1x16xf32>,
      %mul3A_62 = arith.constant 5.000000e-03 : f32
      %mul3A_63 = vector.broadcast %mul3A_62 : f32 to vector<16xf32>
      %mul3A_64 = arith.mulf %scan3A_45#2, %mul3A_63 : vector<16xf32>
      %swap3A_65 = arith.index_cast %scan3A_8 : i32 to index
      %swap3A_66 = arith.constant 32 : index
      %swap3A_67 = tpu.vector_load %arg7[%swap3A_65, %swap3A_66] {strides = array<i32>} : memref<128x64xf32, #tpu.memory_space<vmem>>, vector<1x16xf32>,
      %swap3A_68 = vector.shape_cast %swap3A_67 : vector<1x16xf32> to vector<16xf32>
      %swap3A_69 = vector.shape_cast %mul3A_64 : vector<16xf32> to vector<1x16xf32>
      tpu.vector_store %arg7[%swap3A_65, %swap3A_66], %swap3A_69 {strides = array<i32>} : memref<128x64xf32, #tpu.memory_space<vmem>>, vector<1x16xf32>,
      %mul3A_70 = arith.constant 5.000000e-03 : f32
      %mul3A_71 = vector.broadcast %mul3A_70 : f32 to vector<16xf32>
      %mul3A_72 = arith.mulf %scan3A_45#3, %mul3A_71 : vector<16xf32>
      %swap3A_73 = arith.index_cast %scan3A_8 : i32 to index
      %swap3A_74 = arith.constant 48 : index
      %swap3A_75 = tpu.vector_load %arg7[%swap3A_73, %swap3A_74] {strides = array<i32>} : memref<128x64xf32, #tpu.memory_space<vmem>>, vector<1x16xf32>,
      %swap3A_76 = vector.shape_cast %swap3A_75 : vector<1x16xf32> to vector<16xf32>
      %swap3A_77 = vector.shape_cast %mul3A_72 : vector<16xf32> to vector<1x16xf32>
      tpu.vector_store %arg7[%swap3A_73, %swap3A_74], %swap3A_77 {strides = array<i32>} : memref<128x64xf32, #tpu.memory_space<vmem>>, vector<1x16xf32>,
    }
    %scan3A_7 = arith.constant 128 : i32
    "tpu.region"() ({
      %run_scoped3A = tpu.sem_alloc : memref<!tpu.dma_semaphore, #tpu.memory_space<semaphore_mem>>
      %dma_start3A = arith.constant 0 : i32
      %dma_start3A_8 = tpu.memref_slice %arg4[%mul3A_2, %dma_start3A] : memref<4096x64xf32, #tpu.memory_space<hbm>> -> memref<128x64xf32, #tpu.memory_space<hbm>>
      %dma_start3A_9 = arith.constant 0 : i32
      %dma_start3A_10 = tpu.memref_slice %arg4[%mul3A_2, %dma_start3A_9] : memref<4096x64xf32, #tpu.memory_space<hbm>> -> memref<128x64xf32, #tpu.memory_space<hbm>>
      tpu.enqueue_dma source(%arg7 : memref<128x64xf32, #tpu.memory_space<vmem>>) target(%dma_start3A_10 : memref<128x64xf32, #tpu.memory_space<hbm>>) target_semaphore(%run_scoped3A : memref<!tpu.dma_semaphore, #tpu.memory_space<semaphore_mem>>)
      %dma_wait3A = arith.constant 0 : i32
      %dma_wait3A_11 = tpu.memref_slice %arg4[%mul3A_2, %dma_wait3A] : memref<4096x64xf32, #tpu.memory_space<hbm>> -> memref<128x64xf32, #tpu.memory_space<hbm>>
      %dma_wait3A_12 = arith.constant 0 : i32
      %dma_wait3A_13 = tpu.memref_slice %arg4[%mul3A_2, %dma_wait3A_12] : memref<4096x64xf32, #tpu.memory_space<hbm>> -> memref<128x64xf32, #tpu.memory_space<hbm>>
      tpu.wait_dma2 semaphore(%run_scoped3A : memref<!tpu.dma_semaphore, #tpu.memory_space<semaphore_mem>>) src(%arg7 : memref<128x64xf32, #tpu.memory_space<vmem>>) dst(%dma_wait3A_13 : memref<128x64xf32, #tpu.memory_space<hbm>>)
      tpu.yield
    }) : () -> ()
    return
  }
}

module attributes {stable_mosaic.version = 14 : i64} {
  func.func @_mlp_body(%arg0: memref<4096x64xf32, #tpu.memory_space<vmem>>, %arg1: memref<64x128xf32, #tpu.memory_space<vmem>>, %arg2: memref<128xf32, #tpu.memory_space<vmem>>, %arg3: memref<128x100xf32, #tpu.memory_space<vmem>>, %arg4: memref<100xf32, #tpu.memory_space<vmem>>, %arg5: memref<4096x100xf32, #tpu.memory_space<vmem>>) attributes {dimension_semantics = [], scalar_prefetch = 0 : i64, scratch_operands = 0 : i64, tpu.core_type = #tpu.core_type<tc>} {
    %get3A = arith.constant 0 : index
    %get3A_0 = arith.constant 0 : index
    %get3A_1 = vector.load %arg0[%get3A, %get3A_0] : memref<4096x64xf32, #tpu.memory_space<vmem>>, vector<4096x64xf32>
    %get3A_2 = arith.constant 0 : index
    %get3A_3 = arith.constant 0 : index
    %get3A_4 = vector.load %arg1[%get3A_2, %get3A_3] : memref<64x128xf32, #tpu.memory_space<vmem>>, vector<64x128xf32>
    %dot_general3A = arith.constant dense<0.000000e+00> : vector<4096x128xf32>
    %dot_general3A_5 = tpu.matmul %get3A_1, %get3A_4, %dot_general3A {dimension_numbers = #tpu.dot_dimension_numbers<[1], [0], [0], [1], [0, 0, 1, 1], [], []>, transpose_lhs_hint = false} : vector<4096x64xf32>, vector<64x128xf32>, vector<4096x128xf32> -> vector<4096x128xf32>
    %get3A_6 = arith.constant 0 : index
    %get3A_7 = vector.load %arg2[%get3A_6] : memref<128xf32, #tpu.memory_space<vmem>>, vector<128xf32>
    %broadcast_in_dim3A = vector.shape_cast %get3A_7 : vector<128xf32> to vector<1x128xf32>
    %add3A = vector.broadcast %broadcast_in_dim3A : vector<1x128xf32> to vector<4096x128xf32>
    %add3A_8 = arith.addf %dot_general3A_5, %add3A : vector<4096x128xf32>
    %tanh3A = math.tanh %add3A_8 : vector<4096x128xf32>
    %get3A_9 = arith.constant 0 : index
    %get3A_10 = arith.constant 0 : index
    %get3A_11 = vector.load %arg3[%get3A_9, %get3A_10] : memref<128x100xf32, #tpu.memory_space<vmem>>, vector<128x100xf32>
    %dot_general3A_12 = arith.constant dense<0.000000e+00> : vector<4096x100xf32>
    %dot_general3A_13 = tpu.matmul %tanh3A, %get3A_11, %dot_general3A_12 {dimension_numbers = #tpu.dot_dimension_numbers<[1], [0], [0], [1], [0, 0, 1, 1], [], []>, transpose_lhs_hint = false} : vector<4096x128xf32>, vector<128x100xf32>, vector<4096x100xf32> -> vector<4096x100xf32>
    %get3A_14 = arith.constant 0 : index
    %get3A_15 = vector.load %arg4[%get3A_14] : memref<100xf32, #tpu.memory_space<vmem>>, vector<100xf32>
    %broadcast_in_dim3A_16 = vector.shape_cast %get3A_15 : vector<100xf32> to vector<1x100xf32>
    %add3A_17 = vector.broadcast %broadcast_in_dim3A_16 : vector<1x100xf32> to vector<4096x100xf32>
    %add3A_18 = arith.addf %dot_general3A_13, %add3A_17 : vector<4096x100xf32>
    %swap3A = arith.constant 0 : index
    %swap3A_19 = arith.constant 0 : index
    %swap3A_20 = vector.load %arg5[%swap3A, %swap3A_19] : memref<4096x100xf32, #tpu.memory_space<vmem>>, vector<4096x100xf32>
    tpu.vector_store %arg5[%swap3A, %swap3A_19], %add3A_18 {strides = array<i32>} : memref<4096x100xf32, #tpu.memory_space<vmem>>, vector<4096x100xf32>,
    return
  }
}

</mosaic_0001>

<sc_bundles>
// kernel: kernel.4.cloned.1.call-start
scs
__scs_entry_jumppad:
0x0: {  	(pc) =	sbr.rel $0x88, $3  }
0x1: {  	(tag) =	ssettag $0x0;
	lr =	simm.s32 $0x1  }
0x2: {  	[smem:$0x3F9B] =	sst lr;
	_ =	strace $0xD0000000  }
0x3: {  	_ = 	snop  }
0x4: {  	_ = 	snop  }
0x5: {  	_ = 	snop  }
0x6: {  	_ = 	snop  }
0x7: {  	_ = 	snop  }
__scs_overlays_trampoline_lowered:
0x8: {  	[smem:$0x3FAA] =	sst s0  }
0x9: {  	[smem:$0x3FAB] =	sst s1  }
0xa: {  	[smem:$0x3FAC] =	sst s2  }
0xb: {  	[smem:$0x3FAD] =	sst s3  }
0xc: {  	[smem:$0x3FAE] =	sst s4  }
0xd: {  	[smem:$0x3FAF] =	sst s5  }
0xe: {  	[smem:$0x3FB0] =	sst s6  }
0xf: {  	[smem:$0x3FB1] =	sst s7  }
0x10: {  	[smem:$0x3FB2] =	sst s8  }
0x11: {  	[smem:$0x3FB3] =	sst s9;
	s0 =	simm.s32 @!p0 $0x0  }
0x12: {  	s1 =	sld [smem:$0x3F99];
	s0 =	simm.s32 @p0 $0x1  }
0x13: {  	[smem:$0x3FB4] =	sst s0;
	s0 =	simm.s32 @!p1 $0x0  }
0x14: {  	s2 =	sld [smem:$0x3F98];
	s0 =	simm.s32 @p1 $0x1  }
0x15: {  	[smem:$0x3FB5] =	sst s0;
	s0 =	simm.s32 @!p2 $0x0  }
0x16: {  	s3 =	sld [smem:$0x3FDB];
	s0 =	simm.s32 @p2 $0x1  }
0x17: {  	s4 =	simm.s32 $0x1BF5;
	[smem:$0x3FB7] =	sst s0  }
0x18: {  	s0 =	sld [smem:$0x3F9A];
	_ =	swait.ge [sflag:s4], $0x0  }
0x19: {  	s7 =	sld [smem:$0x3F9B]  }
0x1a: {  	s8 =	sadd.s32 $0xFFFFE003, lr  }
0x1b: {  	s9 =	sadd.s32 $0xFFFFFEF7, lr;
	s5 =	simm.s32 $0xFFFFFFFF;
	p2 =	slt.u32 s8, $0xFFFFF086  }
0x1c: {  	p1 =	slt.u32 s9, $0xF7A;
	s5 =	simm.s32 @!p2 $0x0  }
0x1d: {  	s5 =	simm.s32 @p1 $0x1;
	p0 =	seq.s32 s7, s2  }
0x1e: {  	s7 =	smul.u32 @!p0 $0xF7A, s2;
	p2 =	seq.s32 @!p0 s5, $0x0  }
0x1f: {  	s9 =	smul.u32 $0xF7A, s1;
	s8 =	simm.s32 @!p0 $0x1BF5;
	p2 =	por !p2, p0  }
0x20: {  	[sflag:s8] =	ssyncset.s32 @!p0 $0xFFFFF086;
	s6 =	sadd.s32 @!p0 s3, s7;
	s7 =	simm.s32 @!p0 $0x108  }
0x21: {  	s3 =	sadd.s32 s3, s9;
	s6 =	sadd.s32 @!p0 $0x88, s6;
	s7 =	simm.s32 @p2 $0x1082  }
0x22: {  	[simem:s7], [sflag:s8] =	dma.local @!p0 [hbm:s6], $0xF7A  }
0x23: {  	s9 =	sor.u32 $0xD0000000, s2;
	s6 =	simm.s32 $0x108;
	_ =	swait.ge @!p0 [sflag:s8], $0x0  }
0x24: {  	s3 =	sadd.s32 $0x88, s3;
	s6 =	simm.s32 @!p1 $0x1082;
	[sflag:s4] =	ssyncset.s32 $0xFFFFF086  }
0x25: {  	[simem:s6], [sflag:s4] =	dma.local [hbm:s3], $0xF7A  }
0x26: {  	[smem:$0x3F9B] =	sst s1;
	(tag) =	ssettag s2;
	_ =	strace s9  }
0x27: {  	s1 =	sld [smem:$0x3FAB]  }
0x28: {  	s2 =	sld [smem:$0x3FAC]  }
0x29: {  	s4 =	sld [smem:$0x3FAE]  }
0x2a: {  	p0 =	seq.s32 s5, $0x0;
	s5 =	sld [smem:$0x3FAF]  }
0x2b: {  	s6 =	sld [smem:$0x3FB0]  }
0x2c: {  	s7 =	sld [smem:$0x3FB1]  }
0x2d: {  	s3 =	simm.s32 $0x108;
	s8 =	sld [smem:$0x3FB2]  }
0x2e: {  	s3 =	simm.s32 @!p0 $0x1082;
	s9 =	sld [smem:$0x3FB3]  }
0x2f: {  	lr =	sadd.s32 s0, s3;
	s0 =	sld [smem:$0x3FAA]  }
0x30: {  	s3 =	sld [smem:$0x3FAD]  }
0x31: {  	[smem:$0x3FB6] =	sst s10  }
0x32: {  	s10 =	sld [smem:$0x3FB4];
	_ =	sdelay $0x3  }
0x33: {  	p0 =	seq.s32 s10, $0x1;
	s10 =	sld [smem:$0x3FB6];
	_ =	sdelay $0x3  }
0x34: {  	[smem:$0x3FB6] =	sst s10  }
0x35: {  	s10 =	sld [smem:$0x3FB5];
	_ =	sdelay $0x3  }
0x36: {  	p1 =	seq.s32 s10, $0x1;
	s10 =	sld [smem:$0x3FB6];
	_ =	sdelay $0x3  }
0x37: {  	[smem:$0x3FB6] =	sst s10  }
0x38: {  	s10 =	sld [smem:$0x3FB7]  }
0x39: {  	_ = 	snop;
	(pc) =	sbr.ind lr, $3  }
0x3a: {  	_ = 	snop  }
0x3b: {  	_ = 	snop  }
0x3c: {  	p2 =	seq.s32 s10, $0x1;
	s10 =	sld [smem:$0x3FB6]  }
0x3d: {  	_ =	shalt  }
0x3e: {  	_ =	shalt  }
0x3f: {  	_ =	shalt  }
0x40: {  	_ =	shalt  }
0x41: {  	_ =	shalt  }
0x42: {  	_ =	shalt  }
0x43: {  	_ =	shalt  }
0x44: {  	_ =	shalt  }
0x45: {  	_ =	shalt  }
0x46: {  	_ =	shalt  }
0x47: {  	_ =	shalt  }
0x48: {  	_ =	shalt  }
0x49: {  	_ =	shalt  }
0x4a: {  	_ =	shalt  }
0x4b: {  	_ =	shalt  }
0x4c: {  	_ =	shalt  }
0x4d: {  	_ =	shalt  }
0x4e: {  	_ =	shalt  }
0x4f: {  	_ =	shalt  }
0x50: {  	_ =	shalt  }
0x51: {  	_ =	shalt  }
0x52: {  	_ =	shalt  }
0x53: {  	_ =	shalt  }
0x54: {  	_ =	shalt  }
0x55: {  	_ =	shalt  }
0x56: {  	_ =	shalt  }
0x57: {  	_ =	shalt  }
0x58: {  	_ =	shalt  }
0x59: {  	_ =	shalt  }
0x5a: {  	_ =	shalt  }
0x5b: {  	_ =	shalt  }
0x5c: {  	_ =	shalt  }
0x5d: {  	_ =	shalt  }
0x5e: {  	_ =	shalt  }
0x5f: {  	_ =	shalt  }
0x60: {  	_ =	shalt  }
0x61: {  	_ =	shalt  }
0x62: {  	_ =	shalt  }
0x63: {  	_ =	shalt  }
0x64: {  	_ =	shalt  }
0x65: {  	_ =	shalt  }
0x66: {  	_ =	shalt  }
0x67: {  	_ =	shalt  }
0x68: {  	_ =	shalt  }
0x69: {  	_ =	shalt  }
0x6a: {  	_ =	shalt  }
0x6b: {  	_ =	shalt  }
0x6c: {  	_ =	shalt  }
0x6d: {  	_ =	shalt  }
0x6e: {  	_ =	shalt  }
0x6f: {  	_ =	shalt  }
0x70: {  	_ =	shalt  }
0x71: {  	_ =	shalt  }
0x72: {  	_ =	shalt  }
0x73: {  	_ =	shalt  }
0x74: {  	_ =	shalt  }
0x75: {  	_ =	shalt  }
0x76: {  	_ =	shalt  }
0x77: {  	_ =	shalt  }
0x78: {  	_ =	shalt  }
0x79: {  	_ =	shalt  }
0x7a: {  	_ =	shalt  }
0x7b: {  	_ =	shalt  }
0x7c: {  	_ =	shalt  }
0x7d: {  	_ =	shalt  }
0x7e: {  	_ =	shalt  }
0x7f: {  	_ =	shalt  }
0x80: {  	_ =	shalt  }
0x81: {  	_ =	shalt  }
0x82: {  	_ =	shalt  }
0x83: {  	_ =	shalt  }
0x84: {  	_ =	shalt  }
0x85: {  	_ =	shalt  }
0x86: {  	_ =	shalt  }
0x87: {  	_ =	shalt  }
.Lfunc_end0:
.L_simem_size_0:
called_computation_lowered:
.L_overlay_start_0:
0x88: {  	s2 =	sld [smem:$0x3FD9]  }
0x89: {  	s3 =	sld [smem:$0x3FFE];
	_ =	sdelay $0x1  }
0x8a: {  	s1 =	srdreg.scid  }
0x8b: {  	s0 =	sand.u32 $0x1, s1  }
0x8c: {  	s17 =	sshll.u32 s0, $0xA;
	s2 =	sadd.s32 s3, s2  }
0x8d: {  	s2 =	sadd.s32 s2, s17  }
0x8e: {  	[smem:$0x3FC2] =	sst s2  }
0x8f: {  	_ = 	snop  }
0x90: {  	s2 =	sld [smem:$0x3FD0];
	(tm) =	ssettm $0x1  }
0x91: {  	s18 =	sld [smem:$0x3FFB];
	_ =	sdelay $0x3  }
0x92: {  	_ =	strace s18  }
0x93: {  	s3 =	sld [smem:$0x3FFC];
	_ =	sdelay $0x3  }
0x94: {  	_ =	strace s3  }
0x95: {  	s3 =	sld [smem:$0x3FFD];
	_ =	sdelay $0x3  }
0x96: {  	_ =	strace s3  }
0x97: {  	_ =	strace $0x8FFFFFFF  }
0x98: {  	s19 =	sld [smem:$0x3FDB];
	_ =	sdelay $0x1  }
0x99: {  	s4 =	simm.s32 $_scs_section_size  }
0x9a: {  	s5 =	simm.s32 $_size__tile_overlayer_lowered;
	s6 =	simm.s32 $_tile_overlayer_lowered  }
0x9b: {  	s22 =	simm.s32 $0x1BFF;
	s21 =	sshll.u32 s6, $0x1;
	s3 =	sadd.s32 s4, s19  }
0x9c: {  	s7 =	simm.s32 $0x0;
	s20 =	sshll.u32 s5, $0x1;
	s5 =	sadd.s32 s21, s3  }
0x9d: {  	[timem:s7], [sflag:s22] =	dma.local [hbm:s5], s20  }
0x9e: {  	_ =	swait.ge [sflag:s22], s20  }
0x9f: {  	s4 =	ssub.s32 $0x0, s20;
	[sflag:s22] =	ssyncset.done $0x0  }
0xa0: {  	[sflag:s22] =	ssyncadd.s32 s4;
	_ =	sdelay $0x1  }
0xa1: {  	s23 =	simm.s32 $0x1B8B  }
0xa2: {  	_ =	swait.ge [sflag:s23], $0x1  }
0xa3: {  	[sflag:s23] =	ssyncset.done $0x0  }
0xa4: {  	s25 =	simm.s32 $0x1B8E;
	s24 =	sld [smem:$0x3FFE];
	[sflag:s23] =	ssyncadd.s32 $0xFFFFFFFF  }
0xa5: {  	s26 =	simm.s32 $execute0_lowered;
	[smem:$0x3FD2] =	sst s25  }
0xa6: {  	s5 =	sshll.u32 s26, $0x1;
	_ =	strace $0x80000046;
	[dreg:$0x1] =	wrdreg $0xFFFFFFFF  }
0xa7: {  	s28 =	simm.s32 $_size_execute0_lowered;
	s3 =	sadd.s32 s3, s5;
	[dreg:$0x0] =	wrdreg $0x0  }
0xa8: {  	s5 =	sshll.u32 s28, $0x1;
	[dreg:$0x2] =	wrdreg s3  }
0xa9: {  	[dreg:$0x3] =	wrdreg s5  }
0xaa: {  	[dreg:$0x4] =	wrdreg $0xC0  }
0xab: {  	_ =	task [dreg:s7], $0x5FFFF  }
0xac: {  	[dreg:$0x1] =	wrdreg $0xFFFFFFFF  }
0xad: {  	[dreg:$0x0] =	wrdreg $0x60  }
0xae: {  	[dreg:$0x2] =	wrdreg s24  }
0xaf: {  	[dreg:$0x3] =	wrdreg s2  }
0xb0: {  	[dreg:$0x4] =	wrdreg $0x9  }
0xb1: {  	_ =	task.clear_ibuf [dreg:s7], $0x5FFFF;
	_ =	strace $0x90000046  }
0xb2: {  	s29 =	simm.s32 $0x9;
	_ =	strace $0x80000048  }
0xb3: {  	_ =	swait.ge [sflag:s29], $0x1  }
0xb4: {  	[sflag:s29] =	ssyncadd.s32 $0xFFFFFFFF  }
0xb5: {  	_ =	strace $0x90000048  }
0xb6: {  	_ =	sfence  }
0xb7: {  	s30 =	sld [smem:$0x0];
	_ =	sdelay $0x2  }
0xb8: {  	s31 =	sshll.u32 s1, $0xD;
	s1 =	sshrl.u32 s1, $0x2  }
0xb9: {  	s3 =	sand.u32 $0x4000, s31;
	s1 =	sadd.s32 s1, s30  }
0xba: {  	s0 =	sor.u32 s3, s0;
	s1 =	sshll.u32 s1, $0x11  }
0xbb: {  	s0 =	sor.u32 s1, s0  }
0xbc: {  	s0 =	sadd.s32 $0x8F2B, s0  }
0xbd: {  	[sflag:s0] =	ssyncadd.remote.s32 $0x1  }
0xbe: {  	_ =	sfence.sel $0xFFFF  }
0xbf: {  	[dreg:$0x0] =	wrdreg $0xFFFFFFFF;
	(pc) =	sbr.abs _section_cstart, $3  }
0xc0: {  	[dreg:$0x1] =	wrdreg $0xFFFFFFFF  }
0xc1: {  	_ =	task.clear_ibuf [dreg:s7], $0x2FFFF;
	_ =	strace $0x9FFFFFFF  }
0xc2: {  	(tm) =	ssettm $0x7FFFFFFF  }
0xc3: {  	_ =	shalt  }
tec
execute0_lowered:
.L_overlay_start_1:
0x0: {  	(tag) =	ssettag $0x1  }
0x1: {  	s5 =	rddreg [dreg:$0x0]  }
0x2: {  	s6 =	rddreg [dreg:$0x1]  }
0x3: {  	s0 =	rddreg [dreg:$0x2];
	s2 =	simm.s32 $0x0;
	s3 =	srdreg.scid  }
0x4: {  	s1 =	stileid.u32;
	s9 =	simm.s32 $0x68;
	s10 =	simm.s32 $0xC8  }
0x5: {  	s11 =	simm.s32 $0x60;
	s12 =	simm.s32 $0x1AC8;
	s13 =	simm.s32 $0x1  }
0x6: {  	s14 =	simm.s32 $0x2;
	s15 =	simm.s32 $0x32C8;
	s16 =	simm.s32 $0x0  }
0x7: {  	[smem:$0x7FF] =	sst s2;
	s3 =	sand.u32 $0x1, s3;
	s4 =	sshll.u32 s1, $0x8  }
0x8: {  	s7 =	ssub.s32 $0x2, s3;
	s3 =	sshll.u32 s3, $0x7;
	_ =	strace $0x80000047  }
0x9: {  	s8 =	sshrl.u32 s7, $0x1;
	s3 =	sor.u32 s3, s4;
	s4 =	sadd.s32 $0xE00, s5  }
0xa: {  	s5 =	sadd.s32 $0xF43200, s5;
	s7 =	ssub.s32 s7, s8;
	s31 =	sshll.u32 s3, $0x3  }
0xb: {  	s8 =	simm.s32 $0x3;
	s6 =	sadd.s32 s6, s31;
	s7 =	smax.u32 s7, $0x1  }
.LBB2_1:
0xc: {  	s17 =	simm.s32 $0x0  }
.LBB2_2:
0xd: {  	s18 =	sadd.s32 s3, s17  }
0xe: {  	s18 =	smul.u32 $0x19, s18;
	_ =	sdelay $0x1  }
0xf: {  	s19 =	simm.s32 $0x0;
	s18 =	sadd.s32 s4, s18  }
0x10: {  	[tilespmem:s19], [sflag:$0x3] =	stream.linear.gather [hbm4b:s18+s19], $0xC8, $0x38;
	[tilespmem:$0x52C8] =	vst v63  }
0x11: {  	_ =	swait.ge [sflag:s8], $0xC8  }
0x12: {  	[sflag:s8] =	ssyncset.done $0x0  }
0x13: {  	[sflag:s8] =	ssyncadd.s32 $0xFFFFFF38  }
0x14: {  	[tilespmem:s10], [sflag:$0x1] =	stream.indirect.gather [hbm4b:s5+s9], $0x40, s19, s9, $0xb8;
	[tilespmem:$0x52C8] =	vst v63  }
0x15: {  	_ = 	snop  }
0x16: {  	[tilespmem:s12], [sflag:$0x2] =	stream.indirect.gather [hbm4b:s5+s11], $0x40, s9, s11, $0xb8;
	[tilespmem:$0x52C8] =	vst v63  }
0x17: {  	_ =	swait.ge [sflag:s13], $0x1A00  }
0x18: {  	[sflag:s13] =	ssyncset.done $0x0  }
0x19: {  	[sflag:s13] =	ssyncadd.s32 $0xFFFFE600  }
0x1a: {  	_ =	swait.ge [sflag:s14], $0x1800  }
0x1b: {  	[sflag:s14] =	ssyncset.done $0x0  }
0x1c: {  	s18 =	simm.s32 $0x0;
	[sflag:s14] =	ssyncadd.s32 $0xFFFFE800  }
0x1d: {  	v0 =	vld [tilespmem:s18+$0x288]  }
0x1e: {  	v1 =	vld [tilespmem:s18+$0x298]  }
0x1f: {  	v2 =	vld [tilespmem:s18+$0x248]  }
0x20: {  	v3 =	vld [tilespmem:s18+$0x258]  }
0x21: {  	v4 =	vld [tilespmem:s18+$0x208]  }
0x22: {  	v5 =	vld [tilespmem:s18+$0x218]  }
0x23: {  	v6 =	vld [tilespmem:s18+$0x1C8]  }
0x24: {  	v7 =	vld [tilespmem:s18+$0x1D8]  }
0x25: {  	v9 =	vld [tilespmem:s18+$0x188]  }
0x26: {  	v8 =	vld [tilespmem:s18+$0x198]  }
0x27: {  	v11 =	vld [tilespmem:s18+$0x148]  }
0x28: {  	v10 =	vld [tilespmem:s18+$0x158]  }
0x29: {  	v17 =	vld [tilespmem:s18+$0x108]  }
0x2a: {  	v16 =	vld [tilespmem:s18+$0x118]  }
0x2b: {  	v19 =	vld [tilespmem:s18+$0xC8]  }
0x2c: {  	v12 =	vimm.f32 $0.0e+00;
	v20 =	vld [tilespmem:s18+$0xD8]  }
0x2d: {  	v15 =	vimm.f32 $0.0e+00;
	v14 =	vimm.f32 $0.0e+00;
	v13 =	vimm.f32 $0.0e+00;
	s19 =	simm.s32 $0x800;
	v18 =	vld [tilespmem:s18+$0xE8]  }
.LBB2_3:
0x2e: {  	p0 =	sne.s32 s19, $0xC000;
	v21 =	vld [tilespmem:s18+$0xF8]  }
0x2f: {  	v22 =	vld [tilespmem:s18+$0x128]  }
0x30: {  	v23 =	vld [tilespmem:s18+$0x138]  }
0x31: {  	v24 =	vld [tilespmem:s18+$0x168]  }
0x32: {  	v12 =	vadd.f32 v19, v12;
	v15 =	vadd.f32 v20, v15;
	v19 =	vld [tilespmem:s18+$0x178]  }
0x33: {  	v14 =	vadd.f32 v18, v14;
	v13 =	vadd.f32 v21, v13;
	v18 =	vld [tilespmem:s18+$0x1A8]  }
0x34: {  	v12 =	vadd.f32 v17, v12;
	v15 =	vadd.f32 v16, v15;
	v16 =	vld [tilespmem:s18+$0x1B8]  }
0x35: {  	v14 =	vadd.f32 v22, v14;
	v13 =	vadd.f32 v23, v13;
	v17 =	vld [tilespmem:s18+$0x1E8]  }
0x36: {  	v11 =	vadd.f32 v11, v12;
	v10 =	vadd.f32 v10, v15;
	v12 =	vld [tilespmem:s18+$0x1F8]  }
0x37: {  	v14 =	vadd.f32 v24, v14;
	v13 =	vadd.f32 v19, v13;
	v15 =	vld [tilespmem:s18+$0x228]  }
0x38: {  	v9 =	vadd.f32 v9, v11;
	v8 =	vadd.f32 v8, v10;
	v10 =	vld [tilespmem:s18+$0x238]  }
0x39: {  	v11 =	vadd.f32 v18, v14;
	v13 =	vadd.f32 v16, v13;
	v14 =	vld [tilespmem:s18+$0x268]  }
0x3a: {  	v6 =	vadd.f32 v6, v9;
	v7 =	vadd.f32 v7, v8;
	v8 =	vld [tilespmem:s18+$0x278]  }
0x3b: {  	v9 =	vadd.f32 v17, v11;
	v11 =	vadd.f32 v12, v13;
	v13 =	vld [tilespmem:s18+$0x2A8]  }
0x3c: {  	v4 =	vadd.f32 v4, v6;
	v5 =	vadd.f32 v5, v7;
	v6 =	vld [tilespmem:s18+$0x2B8];
	s18 =	sshra.s32 s19, $0x2  }
0x3d: {  	v9 =	vadd.f32 v15, v9;
	v7 =	vld [tilespmem:s18+$0x288];
	v10 =	vadd.f32 v10, v11  }
0x3e: {  	v4 =	vadd.f32 v2, v4;
	v5 =	vadd.f32 v3, v5;
	v11 =	vld [tilespmem:s18+$0x298]  }
0x3f: {  	v9 =	vadd.f32 v14, v9;
	v2 =	vld [tilespmem:s18+$0x248];
	v8 =	vadd.f32 v8, v10  }
0x40: {  	v12 =	vadd.f32 v0, v4;
	v15 =	vadd.f32 v1, v5;
	v3 =	vld [tilespmem:s18+$0x258]  }
0x41: {  	v14 =	vadd.f32 v13, v9;
	v4 =	vld [tilespmem:s18+$0x208];
	v13 =	vadd.f32 v6, v8  }
0x42: {  	v5 =	vld [tilespmem:s18+$0x218];
	v0 =	vmov v7  }
0x43: {  	v6 =	vld [tilespmem:s18+$0x1C8];
	v1 =	vmov v11  }
0x44: {  	v7 =	vld [tilespmem:s18+$0x1D8]  }
0x45: {  	v9 =	vld [tilespmem:s18+$0x188]  }
0x46: {  	v8 =	vld [tilespmem:s18+$0x198]  }
0x47: {  	v11 =	vld [tilespmem:s18+$0x148]  }
0x48: {  	v10 =	vld [tilespmem:s18+$0x158]  }
.Ltmp0:
0x49: {  	v17 =	vld [tilespmem:s18+$0x108];
	(pc) =	sbr.rel @p0 .LBB2_3-.Ltmp0, $4  }
0x4a: {  	v16 =	vld [tilespmem:s18+$0x118]  }
0x4b: {  	v19 =	vld [tilespmem:s18+$0xC8]  }
0x4c: {  	v20 =	vld [tilespmem:s18+$0xD8]  }
0x4d: {  	s19 =	sadd.s32 $0x800, s19;
	v18 =	vld [tilespmem:s18+$0xE8]  }
0x4e: {  	v21 =	vld [tilespmem:s18+$0xF8]  }
0x4f: {  	v22 =	vld [tilespmem:s18+$0x128]  }
0x50: {  	v23 =	vld [tilespmem:s18+$0x138];
	v12 =	vadd.f32 v19, v12  }
0x51: {  	v42 =	vld [tilespmem:s18+$0x168];
	v15 =	vadd.f32 v20, v15  }
0x52: {  	v43 =	vld [tilespmem:s18+$0x178];
	v14 =	vadd.f32 v18, v14;
	v12 =	vadd.f32 v17, v12  }
0x53: {  	v44 =	vld [tilespmem:s18+$0x1A8];
	v13 =	vadd.f32 v21, v13;
	v15 =	vadd.f32 v16, v15  }
0x54: {  	v45 =	vld [tilespmem:s18+$0x1B8];
	v14 =	vadd.f32 v22, v14;
	v11 =	vadd.f32 v11, v12  }
0x55: {  	v47 =	vld [tilespmem:s18+$0x1E8];
	v46 =	vadd.f32 v23, v13;
	v10 =	vadd.f32 v10, v15  }
0x56: {  	v48 =	vld [tilespmem:s18+$0x1F8];
	v14 =	vadd.f32 v42, v14;
	v9 =	vadd.f32 v9, v11  }
0x57: {  	v50 =	vld [tilespmem:s18+$0x228];
	v49 =	vadd.f32 v43, v46;
	v8 =	vadd.f32 v8, v10  }
0x58: {  	v51 =	vld [tilespmem:s18+$0x238];
	v14 =	vadd.f32 v44, v14;
	v6 =	vadd.f32 v6, v9  }
0x59: {  	v53 =	vld [tilespmem:s18+$0x268];
	v52 =	vadd.f32 v45, v49;
	v7 =	vadd.f32 v7, v8  }
0x5a: {  	v54 =	vld [tilespmem:s18+$0x278];
	v13 =	vadd.f32 v47, v14;
	v4 =	vadd.f32 v4, v6  }
0x5b: {  	v56 =	vld [tilespmem:s18+$0x2A8];
	v55 =	vadd.f32 v48, v52;
	v5 =	vadd.f32 v5, v7  }
0x5c: {  	v57 =	vld [tilespmem:s18+$0x2B8];
	v12 =	vadd.f32 v50, v13;
	v2 =	vadd.f32 v2, v4  }
0x5d: {  	v58 =	vadd.f32 v51, v55;
	v3 =	vadd.f32 v3, v5  }
0x5e: {  	v59 =	vadd.f32 v53, v12;
	v0 =	vadd.f32 v0, v2  }
0x5f: {  	s31 =	sshll.u32 s17, $0x6;
	s17 =	sadd.s32 $0x1, s17;
	v60 =	vadd.f32 v54, v58;
	v1 =	vadd.f32 v1, v3  }
0x60: {  	p0 =	sne.s32 s17, $0x80;
	v61 =	vadd.f32 v56, v59;
	v0 =	vmul.f32 $4.999999890e-03, v0  }
.Ltmp1:
0x61: {  	s18 =	sand.u32 $0x3FFFFFC0, s31;
	v2 =	vadd.f32 v57, v60;
	v1 =	vmul.f32 $4.999999890e-03, v1;
	(pc) =	sbr.rel @p0 .LBB2_2-.Ltmp1, $4  }
0x62: {  	[tilespmem:s18+$0x32C8] =	vst v0;
	v62 =	vmul.f32 $4.999999890e-03, v61  }
0x63: {  	[tilespmem:s18+$0x32D8] =	vst v1;
	v63 =	vmul.f32 $4.999999890e-03, v2  }
0x64: {  	[tilespmem:s18+$0x32E8] =	vst v62  }
0x65: {  	[tilespmem:s18+$0x32F8] =	vst v63  }
0x66: {  	s16 =	sadd.s32 $0x1, s16  }
0x67: {  	p0 =	sne.s32 s16, s7  }
.Ltmp2:
0x68: {  	_ = 	snop;
	(pc) =	sbr.rel @p0 .LBB2_1-.Ltmp2, $4  }
0x69: {  	[hbm4b:s6+s2] =	stream.linear.scatter [tilespmem:s15], [sflag:$0x3], $0x2000, $0x38;
	[tilespmem:$0x52C8] =	vst v63  }
0x6a: {  	_ =	swait.ge [sflag:s8], $0x2000  }
0x6b: {  	[sflag:s8] =	ssyncset.done $0x0  }
0x6c: {  	[sflag:s8] =	ssyncadd.s32 $0xFFFFE000  }
0x6d: {  	_ =	sfence.sel $0x180000  }
0x6e: {  	[bflag:$0x0] =	sbarrier.arrive $0xFFFF  }
0x6f: {  	p0 =	sne.s32 s1, $0x0;
	_ =	strace $0x90000047  }
0x70: {  	s0 =	sadd.s32 @!p0 $0x100000, s0;
	[bflag:$0x2] =	sbarrier.arrive $0xFFFF  }
0x71: {  	[sflag:s0] =	ssyncadd.tile.s32 @!p0 $0x1;
	_ =	shalt  }
.Lfunc_end2:
_tile_overlayer_lowered:
.L_overlay_start_2:
0x72: {  	(tag) =	ssettag $0x2  }
0x73: {  	s0 =	rddreg [dreg:$0x0];
	s2 =	stileid.u32  }
0x74: {  	s1 =	rddreg [dreg:$0x1];
	p0 =	sne.s32 s2, $0x0  }
0x75: {  	s3 =	rddreg [dreg:$0x2];
	[bflag:$0x3] =	sbarrier.arrive $0xFFFF;
	s2 =	simm.s32 @!p0 $0x1C03  }
0x76: {  	[timem:s3], [sflag:s2] =	dma.local @!p0 [hbm:s0], s1  }
0x77: {  	s0 =	simm.s32 @!p0 $0x3  }
0x78: {  	_ =	swait.ge @!p0 [sflag:s0], s1  }
0x79: {  	s1 =	ssub.s32 @!p0 $0x0, s1;
	[sflag:s0] =	ssyncset.done @!p0 $0x0  }
0x7a: {  	[sflag:s0] =	ssyncadd.s32 @!p0 s1  }
0x7b: {  	[bflag:$0x3] =	sbarrier.arrive $0xFFFF  }
0x7c: {  	_ =	shalt  }

</sc_bundles>
